<compile_context>
chip_gen: v7x
topology: tpu7x:2x2x1
jax: 0.10.2.dev20260603
libtpu: 0.0.44.dev20260713+nightly
codegen_flags: <defaults>
</compile_context>

<pallas_src>
import functools

import jax
import jax.numpy as jnp
from jax import lax
from jax.experimental import pallas as pl
from jax.experimental.pallas import tpu as pltpu
from jax.experimental.pallas import tpu_sc as plsc

N = 1048576
NUM_X = 320
NUM_Y = 320
EMB = 3
IN_D = 4
OUT_D = 2 * EMB + 2

_info = plsc.get_sparse_core_info()
NC = _info.num_cores
NS = _info.num_subcores
L = _info.num_lanes
NW = NC * NS

ROWS_PER_W = N // NW
CHUNK = 2048
NCHUNK = ROWS_PER_W // CHUNK


def _body(coors_hbm, wx_hbm, wy_hbm, out_hbm,
          wx_v, wy_v, coors_v, out_v, sem_in, sem_out):
    wid = lax.axis_index("s") * NC + lax.axis_index("c")
    base_w = wid * ROWS_PER_W

    pltpu.sync_copy(wx_hbm, wx_v)
    pltpu.sync_copy(wy_hbm, wy_v)

    iota = lax.iota(jnp.int32, L)
    r4_0 = iota * IN_D
    r8_0 = iota * OUT_D

    def chunk_body(ci, carry):
        base = base_w + ci * CHUNK
        pltpu.sync_copy(coors_hbm.at[pl.ds(base * IN_D, CHUNK * IN_D)],
                        coors_v)

        def grp(g, rr):
            r4, r8 = rr
            c0 = plsc.load_gather(coors_v, [r4])
            c1 = plsc.load_gather(coors_v, [r4 + 1])
            c2 = plsc.load_gather(coors_v, [r4 + 2])
            c3 = plsc.load_gather(coors_v, [r4 + 3])
            ix3 = c0.astype(jnp.int32) * EMB
            iy3 = c1.astype(jnp.int32) * EMB
            wx0 = plsc.load_gather(wx_v, [ix3])
            wx1 = plsc.load_gather(wx_v, [ix3 + 1])
            wx2 = plsc.load_gather(wx_v, [ix3 + 2])
            wy0 = plsc.load_gather(wy_v, [iy3])
            wy1 = plsc.load_gather(wy_v, [iy3 + 1])
            wy2 = plsc.load_gather(wy_v, [iy3 + 2])
            plsc.store_scatter(out_v, [r8], wx0)
            plsc.store_scatter(out_v, [r8 + 1], wx1)
            plsc.store_scatter(out_v, [r8 + 2], wx2)
            plsc.store_scatter(out_v, [r8 + 3], wy0)
            plsc.store_scatter(out_v, [r8 + 4], wy1)
            plsc.store_scatter(out_v, [r8 + 5], wy2)
            plsc.store_scatter(out_v, [r8 + 6], c2)
            plsc.store_scatter(out_v, [r8 + 7], c3)
            return (r4 + L * IN_D, r8 + L * OUT_D)

        lax.fori_loop(0, CHUNK // L, grp, (r4_0, r8_0))
        pltpu.sync_copy(out_v, out_hbm.at[pl.ds(base * OUT_D, CHUNK * OUT_D)])
        return carry

    lax.fori_loop(0, NCHUNK, chunk_body, 0)


@jax.jit
def _features(coors_flat, wx_flat, wy_flat):
    mesh = plsc.VectorSubcoreMesh(core_axis_name="c", subcore_axis_name="s")
    run = functools.partial(
        pl.kernel,
        out_type=jax.ShapeDtypeStruct((N * OUT_D,), jnp.float32),
        mesh=mesh,
        compiler_params=pltpu.CompilerParams(needs_layout_passes=False),
        scratch_types=[
            pltpu.VMEM((NUM_X * EMB,), jnp.float32),
            pltpu.VMEM((NUM_Y * EMB,), jnp.float32),
            pltpu.VMEM((CHUNK * IN_D,), jnp.float32),
            pltpu.VMEM((CHUNK * OUT_D,), jnp.float32),
            pltpu.SemaphoreType.DMA,
            pltpu.SemaphoreType.DMA,
        ],
    )(_body)
    return run(coors_flat, wx_flat, wy_flat)


def kernel(coors_kspace, Wx, Wy):
    flat = _features(coors_kspace.reshape(-1), Wx.reshape(-1), Wy.reshape(-1))
    return (flat.reshape(N, OUT_D), Wx, Wy)

# --- scband reference (transcript-rebuilt; emitter-appended) ---
"""Pipeline reference for scband-coor-embedding-35373350650113 (READ-ONLY COPY).

The authoritative reference and input builder live on the scoring server;
editing this copy changes nothing except your own understanding.
"""

import jax, jax.numpy as jnp
import numpy as np

N = 1048576
NUM_X = 320
NUM_Y = 320
EMB = 3

def setup_inputs(seed: int = 0) -> dict:
    key = jax.random.key(seed)
    k1, k2, k3 = jax.random.split(key, 3)
    # coors_kspace is a float tensor whose first two columns hold integer-valued
    # k-space coordinates (cast with .long() in the torch module); remaining
    # columns are extra float features. We generate integer values and cast.
    idx = jax.random.randint(k1, (N, 4), 0, NUM_X)
    coors_kspace = idx.astype(jnp.float32)
    # nn.Embedding params: normal init, padding_idx=0 row zeroed
    Wx = jax.random.normal(k2, (NUM_X, EMB), dtype=jnp.float32).at[0].set(0.0)
    Wy = jax.random.normal(k3, (NUM_Y, EMB), dtype=jnp.float32).at[0].set(0.0)
    return {"coors_kspace": coors_kspace, "Wx": Wx, "Wy": Wy}

def reference(coors_kspace, Wx, Wy):
    ix = coors_kspace[:, 0].astype(jnp.int32)
    iy = coors_kspace[:, 1].astype(jnp.int32)
    kx_embedded = jnp.take(Wx, ix, axis=0)
    ky_embedded = jnp.take(Wy, iy, axis=0)
    coord_features = jnp.concatenate([kx_embedded, ky_embedded, coors_kspace[:, 2:]], axis=1)
    return (coord_features, Wx, Wy)

if __name__ == "__main__":
    import jax
    _d = setup_inputs()
    print(jax.jit(kernel)(*tuple(_d.values())))

</pallas_src>

<mosaic_0001>
#map = affine_map<(d0, d1) -> (0)>
module attributes {stable_mosaic.version = 14 : i64} {
  func.func @_body(%arg0: i32, %arg1: i32, %arg2: memref<4194304xf32, #tpu.memory_space<hbm>>, %arg3: memref<960xf32, #tpu.memory_space<hbm>>, %arg4: memref<960xf32, #tpu.memory_space<hbm>>, %arg5: memref<8388608xf32, #tpu.memory_space<hbm>>, %arg6: memref<960xf32, #tpu.memory_space<vmem>>, %arg7: memref<960xf32, #tpu.memory_space<vmem>>, %arg8: memref<8192xf32, #tpu.memory_space<vmem>>, %arg9: memref<16384xf32, #tpu.memory_space<vmem>>, %arg10: memref<!tpu.dma_semaphore, #tpu.memory_space<semaphore_mem>>, %arg11: memref<!tpu.dma_semaphore, #tpu.memory_space<semaphore_mem>>) attributes {dimension_semantics = [#tpu.dimension_semantics<core_parallel>, #tpu.dimension_semantics<subcore_parallel>], iteration_bounds = array<i64: 2, 16>, scalar_prefetch = 0 : i64, scratch_operands = 6 : i64, tpu.core_type = #tpu.core_type<sc_vector_subcore>, window_params = [{transform_indices = #map}, {transform_indices = #map}, {transform_indices = #map}, {transform_indices = #map}]} {
    %mul3A = arith.constant 2 : i32
    %mul3A_0 = arith.muli %arg1, %mul3A : i32
    %add3A = arith.addi %mul3A_0, %arg0 : i32
    %mul3A_1 = arith.constant 32768 : i32
    %mul3A_2 = arith.muli %add3A, %mul3A_1 : i32
    "tpu.region"() ({
      %run_scoped3A = tpu.sem_alloc : memref<!tpu.dma_semaphore, #tpu.memory_space<semaphore_mem>>
      tpu.enqueue_dma source(%arg3 : memref<960xf32, #tpu.memory_space<hbm>>) target(%arg6 : memref<960xf32, #tpu.memory_space<vmem>>) target_semaphore(%run_scoped3A : memref<!tpu.dma_semaphore, #tpu.memory_space<semaphore_mem>>)
      tpu.wait_dma2 semaphore(%run_scoped3A : memref<!tpu.dma_semaphore, #tpu.memory_space<semaphore_mem>>) src(%arg3 : memref<960xf32, #tpu.memory_space<hbm>>) dst(%arg6 : memref<960xf32, #tpu.memory_space<vmem>>)
      tpu.yield
    }) : () -> ()
    "tpu.region"() ({
      %run_scoped3A = tpu.sem_alloc : memref<!tpu.dma_semaphore, #tpu.memory_space<semaphore_mem>>
      tpu.enqueue_dma source(%arg4 : memref<960xf32, #tpu.memory_space<hbm>>) target(%arg7 : memref<960xf32, #tpu.memory_space<vmem>>) target_semaphore(%run_scoped3A : memref<!tpu.dma_semaphore, #tpu.memory_space<semaphore_mem>>)
      tpu.wait_dma2 semaphore(%run_scoped3A : memref<!tpu.dma_semaphore, #tpu.memory_space<semaphore_mem>>) src(%arg4 : memref<960xf32, #tpu.memory_space<hbm>>) dst(%arg7 : memref<960xf32, #tpu.memory_space<vmem>>)
      tpu.yield
    }) : () -> ()
    %iota3A = tpu.iota {dimensions = array<i32: 0>} : vector<16xi32>
    %mul3A_3 = arith.constant 4 : i32
    %mul3A_4 = vector.broadcast %mul3A_3 : i32 to vector<16xi32>
    %mul3A_5 = arith.muli %iota3A, %mul3A_4 : vector<16xi32>
    %mul3A_6 = arith.constant 8 : i32
    %mul3A_7 = vector.broadcast %mul3A_6 : i32 to vector<16xi32>
    %mul3A_8 = arith.muli %iota3A, %mul3A_7 : vector<16xi32>
    %scan3A = arith.constant 0 : i32
    %scan3A_9 = arith.constant 0 : i32
    %scan3A_10 = arith.constant 16 : i32
    %scan3A_11 = arith.addi %scan3A_9, %scan3A_10 : i32
    %scan3A_12 = arith.constant 1 : i32
    scf.for %scan3A_14 = %scan3A_9 to %scan3A_11 step %scan3A_12  : i32 {
      %mul3A_15 = arith.constant 2048 : i32
      %mul3A_16 = arith.muli %scan3A_14, %mul3A_15 : i32
      %add3A_17 = arith.addi %mul3A_2, %mul3A_16 : i32
      %mul3A_18 = arith.constant 4 : i32
      %mul3A_19 = arith.muli %add3A_17, %mul3A_18 : i32
      "tpu.region"() ({
        %run_scoped3A = tpu.sem_alloc : memref<!tpu.dma_semaphore, #tpu.memory_space<semaphore_mem>>
        %dma_start3A = tpu.memref_slice %arg2[%mul3A_19] : memref<4194304xf32, #tpu.memory_space<hbm>> -> memref<8192xf32, #tpu.memory_space<hbm>>
        %dma_start3A_28 = tpu.memref_slice %arg2[%mul3A_19] : memref<4194304xf32, #tpu.memory_space<hbm>> -> memref<8192xf32, #tpu.memory_space<hbm>>
        tpu.enqueue_dma source(%dma_start3A_28 : memref<8192xf32, #tpu.memory_space<hbm>>) target(%arg8 : memref<8192xf32, #tpu.memory_space<vmem>>) target_semaphore(%run_scoped3A : memref<!tpu.dma_semaphore, #tpu.memory_space<semaphore_mem>>)
        %dma_wait3A = tpu.memref_slice %arg2[%mul3A_19] : memref<4194304xf32, #tpu.memory_space<hbm>> -> memref<8192xf32, #tpu.memory_space<hbm>>
        %dma_wait3A_29 = tpu.memref_slice %arg2[%mul3A_19] : memref<4194304xf32, #tpu.memory_space<hbm>> -> memref<8192xf32, #tpu.memory_space<hbm>>
        tpu.wait_dma2 semaphore(%run_scoped3A : memref<!tpu.dma_semaphore, #tpu.memory_space<semaphore_mem>>) src(%dma_wait3A_29 : memref<8192xf32, #tpu.memory_space<hbm>>) dst(%arg8 : memref<8192xf32, #tpu.memory_space<vmem>>)
        tpu.yield
      }) : () -> ()
      %scan3A_20 = arith.constant 0 : i32
      %scan3A_21 = arith.constant 128 : i32
      %scan3A_22 = arith.addi %scan3A_20, %scan3A_21 : i32
      %scan3A_23 = arith.constant 1 : i32
      %scan3A_24:2 = scf.for %scan3A_28 = %scan3A_20 to %scan3A_22 step %scan3A_23 iter_args(%scan3A_29 = %mul3A_5, %scan3A_30 = %mul3A_8) -> (vector<16xi32>, vector<16xi32>)  : i32 {
        %gather3A = tpu.vector_load_idx %arg8[%scan3A_29] : memref<8192xf32, #tpu.memory_space<vmem>>[vector<16xi32>], vector<16xf32>,
        %add3A_31 = arith.constant 1 : i32
        %add3A_32 = vector.broadcast %add3A_31 : i32 to vector<16xi32>
        %add3A_33 = arith.addi %scan3A_29, %add3A_32 : vector<16xi32>
        %gather3A_34 = tpu.vector_load_idx %arg8[%add3A_33] : memref<8192xf32, #tpu.memory_space<vmem>>[vector<16xi32>], vector<16xf32>,
        %add3A_35 = arith.constant 2 : i32
        %add3A_36 = vector.broadcast %add3A_35 : i32 to vector<16xi32>
        %add3A_37 = arith.addi %scan3A_29, %add3A_36 : vector<16xi32>
        %gather3A_38 = tpu.vector_load_idx %arg8[%add3A_37] : memref<8192xf32, #tpu.memory_space<vmem>>[vector<16xi32>], vector<16xf32>,
        %add3A_39 = arith.constant 3 : i32
        %add3A_40 = vector.broadcast %add3A_39 : i32 to vector<16xi32>
        %add3A_41 = arith.addi %scan3A_29, %add3A_40 : vector<16xi32>
        %gather3A_42 = tpu.vector_load_idx %arg8[%add3A_41] : memref<8192xf32, #tpu.memory_space<vmem>>[vector<16xi32>], vector<16xf32>,
        %convert_element_type3A = arith.fptosi %gather3A : vector<16xf32> to vector<16xi32>
        %mul3A_43 = arith.constant 3 : i32
        %mul3A_44 = vector.broadcast %mul3A_43 : i32 to vector<16xi32>
        %mul3A_45 = arith.muli %convert_element_type3A, %mul3A_44 : vector<16xi32>
        %convert_element_type3A_46 = arith.fptosi %gather3A_34 : vector<16xf32> to vector<16xi32>
        %mul3A_47 = arith.constant 3 : i32
        %mul3A_48 = vector.broadcast %mul3A_47 : i32 to vector<16xi32>
        %mul3A_49 = arith.muli %convert_element_type3A_46, %mul3A_48 : vector<16xi32>
        %gather3A_50 = tpu.vector_load_idx %arg6[%mul3A_45] : memref<960xf32, #tpu.memory_space<vmem>>[vector<16xi32>], vector<16xf32>,
        %add3A_51 = arith.constant 1 : i32
        %add3A_52 = vector.broadcast %add3A_51 : i32 to vector<16xi32>
        %add3A_53 = arith.addi %mul3A_45, %add3A_52 : vector<16xi32>
        %gather3A_54 = tpu.vector_load_idx %arg6[%add3A_53] : memref<960xf32, #tpu.memory_space<vmem>>[vector<16xi32>], vector<16xf32>,
        %add3A_55 = arith.constant 2 : i32
        %add3A_56 = vector.broadcast %add3A_55 : i32 to vector<16xi32>
        %add3A_57 = arith.addi %mul3A_45, %add3A_56 : vector<16xi32>
        %gather3A_58 = tpu.vector_load_idx %arg6[%add3A_57] : memref<960xf32, #tpu.memory_space<vmem>>[vector<16xi32>], vector<16xf32>,
        %gather3A_59 = tpu.vector_load_idx %arg7[%mul3A_49] : memref<960xf32, #tpu.memory_space<vmem>>[vector<16xi32>], vector<16xf32>,
        %add3A_60 = arith.constant 1 : i32
        %add3A_61 = vector.broadcast %add3A_60 : i32 to vector<16xi32>
        %add3A_62 = arith.addi %mul3A_49, %add3A_61 : vector<16xi32>
        %gather3A_63 = tpu.vector_load_idx %arg7[%add3A_62] : memref<960xf32, #tpu.memory_space<vmem>>[vector<16xi32>], vector<16xf32>,
        %add3A_64 = arith.constant 2 : i32
        %add3A_65 = vector.broadcast %add3A_64 : i32 to vector<16xi32>
        %add3A_66 = arith.addi %mul3A_49, %add3A_65 : vector<16xi32>
        %gather3A_67 = tpu.vector_load_idx %arg7[%add3A_66] : memref<960xf32, #tpu.memory_space<vmem>>[vector<16xi32>], vector<16xf32>,
        tpu.vector_store_idx %arg9[%scan3A_30], %gather3A_50 : memref<16384xf32, #tpu.memory_space<vmem>>[vector<16xi32>], vector<16xf32>,
        %add3A_68 = arith.constant 1 : i32
        %add3A_69 = vector.broadcast %add3A_68 : i32 to vector<16xi32>
        %add3A_70 = arith.addi %scan3A_30, %add3A_69 : vector<16xi32>
        tpu.vector_store_idx %arg9[%add3A_70], %gather3A_54 : memref<16384xf32, #tpu.memory_space<vmem>>[vector<16xi32>], vector<16xf32>,
        %add3A_71 = arith.constant 2 : i32
        %add3A_72 = vector.broadcast %add3A_71 : i32 to vector<16xi32>
        %add3A_73 = arith.addi %scan3A_30, %add3A_72 : vector<16xi32>
        tpu.vector_store_idx %arg9[%add3A_73], %gather3A_58 : memref<16384xf32, #tpu.memory_space<vmem>>[vector<16xi32>], vector<16xf32>,
        %add3A_74 = arith.constant 3 : i32
        %add3A_75 = vector.broadcast %add3A_74 : i32 to vector<16xi32>
        %add3A_76 = arith.addi %scan3A_30, %add3A_75 : vector<16xi32>
        tpu.vector_store_idx %arg9[%add3A_76], %gather3A_59 : memref<16384xf32, #tpu.memory_space<vmem>>[vector<16xi32>], vector<16xf32>,
        %add3A_77 = arith.constant 4 : i32
        %add3A_78 = vector.broadcast %add3A_77 : i32 to vector<16xi32>
        %add3A_79 = arith.addi %scan3A_30, %add3A_78 : vector<16xi32>
        tpu.vector_store_idx %arg9[%add3A_79], %gather3A_63 : memref<16384xf32, #tpu.memory_space<vmem>>[vector<16xi32>], vector<16xf32>,
        %add3A_80 = arith.constant 5 : i32
        %add3A_81 = vector.broadcast %add3A_80 : i32 to vector<16xi32>
        %add3A_82 = arith.addi %scan3A_30, %add3A_81 : vector<16xi32>
        tpu.vector_store_idx %arg9[%add3A_82], %gather3A_67 : memref<16384xf32, #tpu.memory_space<vmem>>[vector<16xi32>], vector<16xf32>,
        %add3A_83 = arith.constant 6 : i32
        %add3A_84 = vector.broadcast %add3A_83 : i32 to vector<16xi32>
        %add3A_85 = arith.addi %scan3A_30, %add3A_84 : vector<16xi32>
        tpu.vector_store_idx %arg9[%add3A_85], %gather3A_38 : memref<16384xf32, #tpu.memory_space<vmem>>[vector<16xi32>], vector<16xf32>,
        %add3A_86 = arith.constant 7 : i32
        %add3A_87 = vector.broadcast %add3A_86 : i32 to vector<16xi32>
        %add3A_88 = arith.addi %scan3A_30, %add3A_87 : vector<16xi32>
        tpu.vector_store_idx %arg9[%add3A_88], %gather3A_42 : memref<16384xf32, #tpu.memory_space<vmem>>[vector<16xi32>], vector<16xf32>,
        %add3A_89 = arith.constant 64 : i32
        %add3A_90 = vector.broadcast %add3A_89 : i32 to vector<16xi32>
        %add3A_91 = arith.addi %scan3A_29, %add3A_90 : vector<16xi32>
        %add3A_92 = arith.constant 128 : i32
        %add3A_93 = vector.broadcast %add3A_92 : i32 to vector<16xi32>
        %add3A_94 = arith.addi %scan3A_30, %add3A_93 : vector<16xi32>
        scf.yield %add3A_91, %add3A_94 : vector<16xi32>, vector<16xi32>
      }
      %scan3A_25 = arith.constant 128 : i32
      %mul3A_26 = arith.constant 8 : i32
      %mul3A_27 = arith.muli %add3A_17, %mul3A_26 : i32
      "tpu.region"() ({
        %run_scoped3A = tpu.sem_alloc : memref<!tpu.dma_semaphore, #tpu.memory_space<semaphore_mem>>
        %dma_start3A = tpu.memref_slice %arg5[%mul3A_27] : memref<8388608xf32, #tpu.memory_space<hbm>> -> memref<16384xf32, #tpu.memory_space<hbm>>
        %dma_start3A_28 = tpu.memref_slice %arg5[%mul3A_27] : memref<8388608xf32, #tpu.memory_space<hbm>> -> memref<16384xf32, #tpu.memory_space<hbm>>
        tpu.enqueue_dma source(%arg9 : memref<16384xf32, #tpu.memory_space<vmem>>) target(%dma_start3A_28 : memref<16384xf32, #tpu.memory_space<hbm>>) target_semaphore(%run_scoped3A : memref<!tpu.dma_semaphore, #tpu.memory_space<semaphore_mem>>)
        %dma_wait3A = tpu.memref_slice %arg5[%mul3A_27] : memref<8388608xf32, #tpu.memory_space<hbm>> -> memref<16384xf32, #tpu.memory_space<hbm>>
        %dma_wait3A_29 = tpu.memref_slice %arg5[%mul3A_27] : memref<8388608xf32, #tpu.memory_space<hbm>> -> memref<16384xf32, #tpu.memory_space<hbm>>
        tpu.wait_dma2 semaphore(%run_scoped3A : memref<!tpu.dma_semaphore, #tpu.memory_space<semaphore_mem>>) src(%arg9 : memref<16384xf32, #tpu.memory_space<vmem>>) dst(%dma_wait3A_29 : memref<16384xf32, #tpu.memory_space<hbm>>)
        tpu.yield
      }) : () -> ()
    }
    %scan3A_13 = arith.constant 16 : i32
    return
  }
}

</mosaic_0001>

<sc_bundles>
// kernel: _features.3.cloned.1.call-start
scs
__scs_entry_jumppad:
0x0: {  	(pc) =	sbr.rel $0x88, $3  }
0x1: {  	(tag) =	ssettag $0x0;
	lr =	simm.s32 $0x1  }
0x2: {  	[smem:$0x3F9E] =	sst lr;
	_ =	strace $0xD0000000  }
0x3: {  	_ = 	snop  }
0x4: {  	_ = 	snop  }
0x5: {  	_ = 	snop  }
0x6: {  	_ = 	snop  }
0x7: {  	_ = 	snop  }
__scs_overlays_trampoline_lowered:
0x8: {  	[smem:$0x3FAD] =	sst s0  }
0x9: {  	[smem:$0x3FAE] =	sst s1  }
0xa: {  	[smem:$0x3FAF] =	sst s2  }
0xb: {  	[smem:$0x3FB0] =	sst s3  }
0xc: {  	[smem:$0x3FB1] =	sst s4  }
0xd: {  	[smem:$0x3FB2] =	sst s5  }
0xe: {  	[smem:$0x3FB3] =	sst s6  }
0xf: {  	[smem:$0x3FB4] =	sst s7  }
0x10: {  	[smem:$0x3FB5] =	sst s8  }
0x11: {  	[smem:$0x3FB6] =	sst s9;
	s0 =	simm.s32 @!p0 $0x0  }
0x12: {  	s1 =	sld [smem:$0x3F9C];
	s0 =	simm.s32 @p0 $0x1  }
0x13: {  	[smem:$0x3FB7] =	sst s0;
	s0 =	simm.s32 @!p1 $0x0  }
0x14: {  	s2 =	sld [smem:$0x3F9B];
	s0 =	simm.s32 @p1 $0x1  }
0x15: {  	[smem:$0x3FB8] =	sst s0;
	s0 =	simm.s32 @!p2 $0x0  }
0x16: {  	s3 =	sld [smem:$0x3FDB];
	s0 =	simm.s32 @p2 $0x1  }
0x17: {  	s4 =	simm.s32 $0x1BF5;
	[smem:$0x3FBA] =	sst s0  }
0x18: {  	s0 =	sld [smem:$0x3F9D];
	_ =	swait.ge [sflag:s4], $0x0  }
0x19: {  	s7 =	sld [smem:$0x3F9E]  }
0x1a: {  	s8 =	sadd.s32 $0xFFFFE003, lr  }
0x1b: {  	s9 =	sadd.s32 $0xFFFFFEF7, lr;
	s5 =	simm.s32 $0xFFFFFFFF;
	p2 =	slt.u32 s8, $0xFFFFF086  }
0x1c: {  	p1 =	slt.u32 s9, $0xF7A;
	s5 =	simm.s32 @!p2 $0x0  }
0x1d: {  	s5 =	simm.s32 @p1 $0x1;
	p0 =	seq.s32 s7, s2  }
0x1e: {  	s7 =	smul.u32 @!p0 $0xF7A, s2;
	p2 =	seq.s32 @!p0 s5, $0x0  }
0x1f: {  	s9 =	smul.u32 $0xF7A, s1;
	s8 =	simm.s32 @!p0 $0x1BF5;
	p2 =	por !p2, p0  }
0x20: {  	[sflag:s8] =	ssyncset.s32 @!p0 $0xFFFFF086;
	s6 =	sadd.s32 @!p0 s3, s7;
	s7 =	simm.s32 @!p0 $0x108  }
0x21: {  	s3 =	sadd.s32 s3, s9;
	s6 =	sadd.s32 @!p0 $0x88, s6;
	s7 =	simm.s32 @p2 $0x1082  }
0x22: {  	[simem:s7], [sflag:s8] =	dma.local @!p0 [hbm:s6], $0xF7A  }
0x23: {  	s9 =	sor.u32 $0xD0000000, s2;
	s6 =	simm.s32 $0x108;
	_ =	swait.ge @!p0 [sflag:s8], $0x0  }
0x24: {  	s3 =	sadd.s32 $0x88, s3;
	s6 =	simm.s32 @!p1 $0x1082;
	[sflag:s4] =	ssyncset.s32 $0xFFFFF086  }
0x25: {  	[simem:s6], [sflag:s4] =	dma.local [hbm:s3], $0xF7A  }
0x26: {  	[smem:$0x3F9E] =	sst s1;
	(tag) =	ssettag s2;
	_ =	strace s9  }
0x27: {  	s1 =	sld [smem:$0x3FAE]  }
0x28: {  	s2 =	sld [smem:$0x3FAF]  }
0x29: {  	s4 =	sld [smem:$0x3FB1]  }
0x2a: {  	p0 =	seq.s32 s5, $0x0;
	s5 =	sld [smem:$0x3FB2]  }
0x2b: {  	s6 =	sld [smem:$0x3FB3]  }
0x2c: {  	s7 =	sld [smem:$0x3FB4]  }
0x2d: {  	s3 =	simm.s32 $0x108;
	s8 =	sld [smem:$0x3FB5]  }
0x2e: {  	s3 =	simm.s32 @!p0 $0x1082;
	s9 =	sld [smem:$0x3FB6]  }
0x2f: {  	lr =	sadd.s32 s0, s3;
	s0 =	sld [smem:$0x3FAD]  }
0x30: {  	s3 =	sld [smem:$0x3FB0]  }
0x31: {  	[smem:$0x3FB9] =	sst s10  }
0x32: {  	s10 =	sld [smem:$0x3FB7];
	_ =	sdelay $0x3  }
0x33: {  	p0 =	seq.s32 s10, $0x1;
	s10 =	sld [smem:$0x3FB9];
	_ =	sdelay $0x3  }
0x34: {  	[smem:$0x3FB9] =	sst s10  }
0x35: {  	s10 =	sld [smem:$0x3FB8];
	_ =	sdelay $0x3  }
0x36: {  	p1 =	seq.s32 s10, $0x1;
	s10 =	sld [smem:$0x3FB9];
	_ =	sdelay $0x3  }
0x37: {  	[smem:$0x3FB9] =	sst s10  }
0x38: {  	s10 =	sld [smem:$0x3FBA]  }
0x39: {  	_ = 	snop;
	(pc) =	sbr.ind lr, $3  }
0x3a: {  	_ = 	snop  }
0x3b: {  	_ = 	snop  }
0x3c: {  	p2 =	seq.s32 s10, $0x1;
	s10 =	sld [smem:$0x3FB9]  }
0x3d: {  	_ =	shalt  }
0x3e: {  	_ =	shalt  }
0x3f: {  	_ =	shalt  }
0x40: {  	_ =	shalt  }
0x41: {  	_ =	shalt  }
0x42: {  	_ =	shalt  }
0x43: {  	_ =	shalt  }
0x44: {  	_ =	shalt  }
0x45: {  	_ =	shalt  }
0x46: {  	_ =	shalt  }
0x47: {  	_ =	shalt  }
0x48: {  	_ =	shalt  }
0x49: {  	_ =	shalt  }
0x4a: {  	_ =	shalt  }
0x4b: {  	_ =	shalt  }
0x4c: {  	_ =	shalt  }
0x4d: {  	_ =	shalt  }
0x4e: {  	_ =	shalt  }
0x4f: {  	_ =	shalt  }
0x50: {  	_ =	shalt  }
0x51: {  	_ =	shalt  }
0x52: {  	_ =	shalt  }
0x53: {  	_ =	shalt  }
0x54: {  	_ =	shalt  }
0x55: {  	_ =	shalt  }
0x56: {  	_ =	shalt  }
0x57: {  	_ =	shalt  }
0x58: {  	_ =	shalt  }
0x59: {  	_ =	shalt  }
0x5a: {  	_ =	shalt  }
0x5b: {  	_ =	shalt  }
0x5c: {  	_ =	shalt  }
0x5d: {  	_ =	shalt  }
0x5e: {  	_ =	shalt  }
0x5f: {  	_ =	shalt  }
0x60: {  	_ =	shalt  }
0x61: {  	_ =	shalt  }
0x62: {  	_ =	shalt  }
0x63: {  	_ =	shalt  }
0x64: {  	_ =	shalt  }
0x65: {  	_ =	shalt  }
0x66: {  	_ =	shalt  }
0x67: {  	_ =	shalt  }
0x68: {  	_ =	shalt  }
0x69: {  	_ =	shalt  }
0x6a: {  	_ =	shalt  }
0x6b: {  	_ =	shalt  }
0x6c: {  	_ =	shalt  }
0x6d: {  	_ =	shalt  }
0x6e: {  	_ =	shalt  }
0x6f: {  	_ =	shalt  }
0x70: {  	_ =	shalt  }
0x71: {  	_ =	shalt  }
0x72: {  	_ =	shalt  }
0x73: {  	_ =	shalt  }
0x74: {  	_ =	shalt  }
0x75: {  	_ =	shalt  }
0x76: {  	_ =	shalt  }
0x77: {  	_ =	shalt  }
0x78: {  	_ =	shalt  }
0x79: {  	_ =	shalt  }
0x7a: {  	_ =	shalt  }
0x7b: {  	_ =	shalt  }
0x7c: {  	_ =	shalt  }
0x7d: {  	_ =	shalt  }
0x7e: {  	_ =	shalt  }
0x7f: {  	_ =	shalt  }
0x80: {  	_ =	shalt  }
0x81: {  	_ =	shalt  }
0x82: {  	_ =	shalt  }
0x83: {  	_ =	shalt  }
0x84: {  	_ =	shalt  }
0x85: {  	_ =	shalt  }
0x86: {  	_ =	shalt  }
0x87: {  	_ =	shalt  }
.Lfunc_end0:
.L_simem_size_0:
called_computation_lowered:
.L_overlay_start_0:
0x88: {  	s2 =	sld [smem:$0x3FD9]  }
0x89: {  	s3 =	sld [smem:$0x3FFE];
	_ =	sdelay $0x1  }
0x8a: {  	s1 =	srdreg.scid  }
0x8b: {  	s0 =	sand.u32 $0x1, s1  }
0x8c: {  	s18 =	sshll.u32 s0, $0xA;
	s2 =	sadd.s32 s3, s2  }
0x8d: {  	s2 =	sadd.s32 s2, s18  }
0x8e: {  	[smem:$0x3FC5] =	sst s2  }
0x8f: {  	_ = 	snop  }
0x90: {  	s2 =	sld [smem:$0x3FC9]  }
0x91: {  	s19 =	sld [smem:$0x3FC8]  }
0x92: {  	s4 =	sld [smem:$0x3FC7]  }
0x93: {  	s5 =	sld [smem:$0x3FD0];
	(tm) =	ssettm $0x1  }
0x94: {  	s6 =	sld [smem:$0x3FFB];
	_ =	sdelay $0x3  }
0x95: {  	_ =	strace s6  }
0x96: {  	s6 =	sld [smem:$0x3FFC];
	_ =	sdelay $0x3  }
0x97: {  	_ =	strace s6  }
0x98: {  	s6 =	sld [smem:$0x3FFD];
	_ =	sdelay $0x3  }
0x99: {  	_ =	strace s6  }
0x9a: {  	_ =	strace $0x8FFFFFFF  }
0x9b: {  	s20 =	sld [smem:$0x3FDB];
	_ =	sdelay $0x1  }
0x9c: {  	s7 =	simm.s32 $_scs_section_size  }
0x9d: {  	s8 =	simm.s32 $_size__tile_overlayer_lowered;
	s9 =	simm.s32 $_tile_overlayer_lowered  }
0x9e: {  	s23 =	simm.s32 $0x1BFF;
	s22 =	sshll.u32 s9, $0x1;
	s6 =	sadd.s32 s7, s20  }
0x9f: {  	s10 =	simm.s32 $0x0;
	s21 =	sshll.u32 s8, $0x1;
	s8 =	sadd.s32 s22, s6  }
0xa0: {  	[timem:s10], [sflag:s23] =	dma.local [hbm:s8], s21  }
0xa1: {  	_ =	swait.ge [sflag:s23], s21  }
0xa2: {  	s7 =	ssub.s32 $0x0, s21;
	[sflag:s23] =	ssyncset.done $0x0  }
0xa3: {  	[sflag:s23] =	ssyncadd.s32 s7;
	_ =	sdelay $0x1  }
0xa4: {  	s24 =	simm.s32 $0x1B8B  }
0xa5: {  	_ =	swait.ge [sflag:s24], $0x1  }
0xa6: {  	[sflag:s24] =	ssyncset.done $0x0  }
0xa7: {  	s25 =	simm.s32 $0x1B8E;
	[sflag:s24] =	ssyncadd.s32 $0xFFFFFFFF  }
0xa8: {  	s26 =	simm.s32 $execute0_lowered;
	[smem:$0x3FD2] =	sst s25  }
0xa9: {  	s7 =	sshll.u32 s26, $0x1;
	_ =	strace $0x80000046;
	[dreg:$0x1] =	wrdreg $0xFFFFFFFF  }
0xaa: {  	s28 =	simm.s32 $_size_execute0_lowered;
	s6 =	sadd.s32 s6, s7;
	[dreg:$0x0] =	wrdreg $0x0  }
0xab: {  	s7 =	sshll.u32 s28, $0x1;
	[dreg:$0x2] =	wrdreg s6  }
0xac: {  	[dreg:$0x3] =	wrdreg s7  }
0xad: {  	[dreg:$0x4] =	wrdreg $0xC0  }
0xae: {  	_ =	task [dreg:s10], $0x5FFFF  }
0xaf: {  	[dreg:$0x1] =	wrdreg $0xFFFFFFFF  }
0xb0: {  	[dreg:$0x0] =	wrdreg $0x60  }
0xb1: {  	[dreg:$0x2] =	wrdreg s2  }
0xb2: {  	[dreg:$0x3] =	wrdreg s19  }
0xb3: {  	[dreg:$0x4] =	wrdreg s4  }
0xb4: {  	[dreg:$0x5] =	wrdreg s5  }
0xb5: {  	[dreg:$0x6] =	wrdreg $0x9  }
0xb6: {  	_ =	task.clear_ibuf [dreg:s10], $0x7FFFF;
	_ =	strace $0x90000046  }
0xb7: {  	s29 =	simm.s32 $0x9;
	_ =	strace $0x80000048  }
0xb8: {  	_ =	swait.ge [sflag:s29], $0x1  }
0xb9: {  	[sflag:s29] =	ssyncadd.s32 $0xFFFFFFFF  }
0xba: {  	_ =	strace $0x90000048  }
0xbb: {  	_ =	sfence  }
0xbc: {  	s30 =	sld [smem:$0x0];
	_ =	sdelay $0x2  }
0xbd: {  	s31 =	sshll.u32 s1, $0xD;
	s1 =	sshrl.u32 s1, $0x2  }
0xbe: {  	s3 =	sand.u32 $0x4000, s31;
	s1 =	sadd.s32 s1, s30  }
0xbf: {  	s0 =	sor.u32 s3, s0;
	s1 =	sshll.u32 s1, $0x11  }
0xc0: {  	s0 =	sor.u32 s1, s0  }
0xc1: {  	s0 =	sadd.s32 $0x8F2B, s0  }
0xc2: {  	[sflag:s0] =	ssyncadd.remote.s32 $0x1  }
0xc3: {  	_ =	sfence.sel $0xFFFF  }
0xc4: {  	[dreg:$0x0] =	wrdreg $0xFFFFFFFF;
	(pc) =	sbr.abs _section_cstart, $3  }
0xc5: {  	[dreg:$0x1] =	wrdreg $0xFFFFFFFF  }
0xc6: {  	_ =	task.clear_ibuf [dreg:s10], $0x2FFFF;
	_ =	strace $0x9FFFFFFF  }
0xc7: {  	(tm) =	ssettm $0x7FFFFFFF  }
tec
execute0_lowered:
.L_overlay_start_1:
0x0: {  	(tag) =	ssettag $0x1  }
0x1: {  	s1 =	rddreg [dreg:$0x0]  }
0x2: {  	s2 =	rddreg [dreg:$0x1]  }
0x3: {  	s3 =	rddreg [dreg:$0x2]  }
0x4: {  	s4 =	rddreg [dreg:$0x3];
	s5 =	srdreg.scid  }
0x5: {  	s0 =	rddreg [dreg:$0x4];
	s6 =	simm.s32 $0x0;
	s11 =	simm.s32 $0x800  }
0x6: {  	s12 =	simm.s32 $0x2800;
	s13 =	simm.s32 $0x0;
	s7 =	sand.u32 $0x1, s5  }
0x7: {  	[smem:$0x7FF] =	sst s6;
	s5 =	stileid.u32;
	s8 =	ssub.s32 $0x2, s7  }
0x8: {  	s10 =	sshll.u32 s5, $0x10;
	s7 =	sshll.u32 s7, $0xF;
	s9 =	sshrl.u32 s8, $0x1  }
0x9: {  	v1 =	vlaneseq.u32;
	_ =	strace $0x80000047;
	s7 =	sor.u32 s7, s10;
	s8 =	ssub.s32 s8, s9  }
0xa: {  	v0 =	vmul.u32 $0x4, v1;
	v1 =	vmul.u32 $0x8, v1;
	s10 =	simm.s32 $0x400;
	s9 =	simm.s32 $0x1;
	s8 =	smax.u32 s8, $0x1  }
.LBB2_1:
0xb: {  	[tilespmem:s6], [sflag:$0x1] =	stream.linear.gather [hbm4b:s2+s6], $0x400, $0x38;
	[tilespmem:$0x6800] =	vst v63  }
0xc: {  	_ =	swait.ge [sflag:s9], $0x400  }
0xd: {  	[sflag:s9] =	ssyncset.done $0x0  }
0xe: {  	[sflag:s9] =	ssyncadd.s32 $0xFFFFFC00  }
0xf: {  	[tilespmem:s10], [sflag:$0x1] =	stream.linear.gather [hbm4b:s3+s6], $0x400, $0x38;
	[tilespmem:$0x6800] =	vst v63  }
0x10: {  	_ =	swait.ge [sflag:s9], $0x400  }
0x11: {  	[sflag:s9] =	ssyncset.done $0x0  }
0x12: {  	s14 =	simm.s32 $0x0;
	[sflag:s9] =	ssyncadd.s32 $0xFFFFFC00  }
.LBB2_2:
0x13: {  	s15 =	sshll.u32 s14, $0xB  }
0x14: {  	s15 =	sadd.s32 s7, s15  }
0x15: {  	s16 =	sshrl.u32 s15, $0x1  }
0x16: {  	s16 =	sadd.s32 s1, s16  }
0x17: {  	[tilespmem:s11], [sflag:$0x1] =	stream.linear.gather [hbm4b:s16+s6], $0x2000, $0x38;
	[tilespmem:$0x6800] =	vst v63  }
0x18: {  	_ =	swait.ge [sflag:s9], $0x2000  }
0x19: {  	v2 =	vor.u32 $0x1, v0;
	[sflag:s9] =	ssyncset.done $0x0  }
0x1a: {  	[sflag:s9] =	ssyncadd.s32 $0xFFFFE000  }
0x1b: {  	v3 =	vld.idx.msk [tilespmem:v0+s11+$0x0], $0xffff;
	_ =	sdelay $0x2  }
0x1c: {  	v2 =	vld.idx.msk [tilespmem:v2+s11+$0x0], $0xffff;
	_ =	sdelay $0x1  }
0x1d: {  	v3 =	vtrunc.f32 v3  }
0x1e: {  	v3 =	vcvt.f32.s32 v3  }
0x1f: {  	v4 =	vor.u32 $0x3, v0  }
0x20: {  	v5 =	vor.u32 $0x2, v0;
	v2 =	vtrunc.f32 v2;
	v3 =	vmul.u32 $0x3, v3  }
0x21: {  	v2 =	vcvt.f32.s32 v2  }
0x22: {  	v6 =	vadd.s32 $0x1, v3  }
0x23: {  	v2 =	vmul.u32 $0x3, v2;
	v7 =	vadd.s32 $0x2, v3  }
0x24: {  	v4 =	vld.idx.msk [tilespmem:v4+s11+$0x0], $0xffff  }
0x25: {  	v8 =	vld.idx.msk [tilespmem:v5+s11+$0x0], $0xffff;
	v5 =	vadd.s32 $0x1, v2  }
0x26: {  	v9 =	vadd.s32 $0x2, v2;
	v3 =	vld.idx.msk [tilespmem:v3+s6+$0x0], $0xffff  }
0x27: {  	v10 =	vor.u32 $0x1, v1;
	v6 =	vld.idx.msk [tilespmem:v6+s6+$0x0], $0xffff  }
0x28: {  	v11 =	vor.u32 $0x2, v1;
	v7 =	vld.idx.msk [tilespmem:v7+s6+$0x0], $0xffff  }
0x29: {  	v12 =	vor.u32 $0x3, v1;
	v2 =	vld.idx.msk [tilespmem:v2+s10+$0x0], $0xffff  }
0x2a: {  	v13 =	vor.u32 $0x4, v1;
	v5 =	vld.idx.msk [tilespmem:v5+s10+$0x0], $0xffff  }
0x2b: {  	v9 =	vld.idx.msk [tilespmem:v9+s10+$0x0], $0xffff;
	[tilespmem:v1+s12+$0x0] =	vst.idx.msk $0xffff, v3  }
0x2c: {  	[tilespmem:v10+s12+$0x0] =	vst.idx.msk $0xffff, v6  }
0x2d: {  	v14 =	vor.u32 $0x5, v1;
	[tilespmem:v11+s12+$0x0] =	vst.idx.msk $0xffff, v7  }
0x2e: {  	v63 =	vor.u32 $0x6, v1;
	[tilespmem:v12+s12+$0x0] =	vst.idx.msk $0xffff, v2  }
0x2f: {  	[tilespmem:v13+s12+$0x0] =	vst.idx.msk $0xffff, v5;
	v5 =	vor.u32 $0x7, v1  }
0x30: {  	v3 =	vadd.s32 $0x40, v0;
	_ =	sdelay $0x1  }
0x31: {  	[tilespmem:v14+s12+$0x0] =	vst.idx.msk $0xffff, v9  }
0x32: {  	s16 =	simm.s32 $0x7E;
	v6 =	vor.u32 $0x1, v3;
	v2 =	vmov v1;
	[tilespmem:v63+s12+$0x0] =	vst.idx.msk $0xffff, v8  }
.LBB2_3:
0x33: {  	p0 =	sne.s32 s16, $0x1;
	s16 =	sadd.s32 $0xFFFFFFFF, s16;
	[tilespmem:v5+s12+$0x0] =	vst.idx.msk $0xffff, v4;
	v2 =	vadd.s32 $0x80, v2  }
0x34: {  	v4 =	vld.idx.msk [tilespmem:v3+s11+$0x0], $0xffff;
	_ =	sdelay $0x2  }
0x35: {  	v5 =	vld.idx.msk [tilespmem:v6+s11+$0x0], $0xffff;
	_ =	sdelay $0x2  }
0x36: {  	v4 =	vtrunc.f32 v4  }
0x37: {  	v4 =	vcvt.f32.s32 v4  }
0x38: {  	v6 =	vor.u32 $0x3, v3  }
0x39: {  	v7 =	vor.u32 $0x2, v3;
	v8 =	vmul.u32 $0x3, v4;
	v4 =	vtrunc.f32 v5  }
0x3a: {  	v4 =	vcvt.f32.s32 v4  }
0x3b: {  	v5 =	vadd.s32 $0x1, v8;
	v9 =	vadd.s32 $0x2, v8  }
0x3c: {  	v10 =	vmul.u32 $0x3, v4  }
0x3d: {  	v4 =	vld.idx.msk [tilespmem:v6+s11+$0x0], $0xffff  }
0x3e: {  	v6 =	vadd.s32 $0x1, v10;
	v11 =	vadd.s32 $0x2, v10;
	v7 =	vld.idx.msk [tilespmem:v7+s11+$0x0], $0xffff  }
0x3f: {  	v8 =	vld.idx.msk [tilespmem:v8+s6+$0x0], $0xffff  }
0x40: {  	v5 =	vld.idx.msk [tilespmem:v5+s6+$0x0], $0xffff  }
0x41: {  	v12 =	vor.u32 $0x1, v2;
	v9 =	vld.idx.msk [tilespmem:v9+s6+$0x0], $0xffff  }
0x42: {  	v13 =	vor.u32 $0x2, v2;
	v10 =	vld.idx.msk [tilespmem:v10+s10+$0x0], $0xffff  }
0x43: {  	v14 =	vor.u32 $0x3, v2;
	v6 =	vld.idx.msk [tilespmem:v6+s10+$0x0], $0xffff  }
0x44: {  	v15 =	vor.u32 $0x4, v2;
	v11 =	vld.idx.msk [tilespmem:v11+s10+$0x0], $0xffff  }
0x45: {  	[tilespmem:v2+s12+$0x0] =	vst.idx.msk $0xffff, v8;
	v8 =	vor.u32 $0x5, v2  }
0x46: {  	[tilespmem:v12+s12+$0x0] =	vst.idx.msk $0xffff, v5;
	v12 =	vor.u32 $0x6, v2  }
.Ltmp0:
0x47: {  	v5 =	vor.u32 $0x7, v2;
	[tilespmem:v13+s12+$0x0] =	vst.idx.msk $0xffff, v9;
	(pc) =	sbr.rel @p0 .LBB2_3-.Ltmp0, $4  }
0x48: {  	v3 =	vadd.s32 $0x40, v3;
	[tilespmem:v14+s12+$0x0] =	vst.idx.msk $0xffff, v10  }
0x49: {  	[tilespmem:v15+s12+$0x0] =	vst.idx.msk $0xffff, v6  }
0x4a: {  	[tilespmem:v8+s12+$0x0] =	vst.idx.msk $0xffff, v11  }
0x4b: {  	v6 =	vor.u32 $0x1, v3;
	[tilespmem:v12+s12+$0x0] =	vst.idx.msk $0xffff, v7  }
0x4c: {  	_ =	sdelay $0x3  }
0x4d: {  	[tilespmem:v5+s12+$0x0] =	vst.idx.msk $0xffff, v4  }
0x4e: {  	v4 =	vld.idx.msk [tilespmem:v3+s11+$0x0], $0xffff;
	_ =	sdelay $0x2  }
0x4f: {  	v5 =	vld.idx.msk [tilespmem:v6+s11+$0x0], $0xffff;
	_ =	sdelay $0x1  }
0x50: {  	v4 =	vtrunc.f32 v4  }
0x51: {  	v4 =	vcvt.f32.s32 v4  }
0x52: {  	v61 =	vor.u32 $0x3, v3  }
0x53: {  	v3 =	vor.u32 $0x2, v3;
	v5 =	vtrunc.f32 v5;
	v4 =	vmul.u32 $0x3, v4  }
0x54: {  	v5 =	vcvt.f32.s32 v5  }
0x55: {  	v7 =	vadd.s32 $0x1, v4  }
0x56: {  	v5 =	vmul.u32 $0x3, v5;
	v8 =	vadd.s32 $0x2, v4  }
0x57: {  	v6 =	vld.idx.msk [tilespmem:v61+s11+$0x0], $0xffff  }
0x58: {  	v3 =	vld.idx.msk [tilespmem:v3+s11+$0x0], $0xffff;
	v9 =	vadd.s32 $0x1, v5  }
0x59: {  	v2 =	vadd.s32 $0x80, v2;
	v10 =	vadd.s32 $0x2, v5;
	v4 =	vld.idx.msk [tilespmem:v4+s6+$0x0], $0xffff  }
0x5a: {  	v11 =	vor.u32 $0x1, v2;
	v7 =	vld.idx.msk [tilespmem:v7+s6+$0x0], $0xffff  }
0x5b: {  	v12 =	vor.u32 $0x2, v2;
	v8 =	vld.idx.msk [tilespmem:v8+s6+$0x0], $0xffff  }
0x5c: {  	v13 =	vor.u32 $0x3, v2;
	v5 =	vld.idx.msk [tilespmem:v5+s10+$0x0], $0xffff  }
0x5d: {  	v14 =	vor.u32 $0x4, v2;
	v9 =	vld.idx.msk [tilespmem:v9+s10+$0x0], $0xffff  }
0x5e: {  	v62 =	vor.u32 $0x5, v2;
	v10 =	vld.idx.msk [tilespmem:v10+s10+$0x0], $0xffff;
	[tilespmem:v2+s12+$0x0] =	vst.idx.msk $0xffff, v4  }
0x5f: {  	v63 =	vor.u32 $0x6, v2;
	[tilespmem:v11+s12+$0x0] =	vst.idx.msk $0xffff, v7  }
0x60: {  	v2 =	vor.u32 $0x7, v2;
	[tilespmem:v12+s12+$0x0] =	vst.idx.msk $0xffff, v8  }
0x61: {  	[tilespmem:v13+s12+$0x0] =	vst.idx.msk $0xffff, v5  }
0x62: {  	[tilespmem:v14+s12+$0x0] =	vst.idx.msk $0xffff, v9  }
0x63: {  	s14 =	sadd.s32 $0x1, s14;
	[tilespmem:v62+s12+$0x0] =	vst.idx.msk $0xffff, v10  }
0x64: {  	p0 =	sne.s32 s14, $0x10;
	[tilespmem:v63+s12+$0x0] =	vst.idx.msk $0xffff, v3  }
.Ltmp1:
0x65: {  	s15 =	sadd.s32 s4, s15;
	[tilespmem:v2+s12+$0x0] =	vst.idx.msk $0xffff, v6;
	(pc) =	sbr.rel @p0 .LBB2_2-.Ltmp1, $4  }
0x66: {  	[hbm4b:s15+s6] =	stream.linear.scatter [tilespmem:s12], [sflag:$0x1], $0x4000, $0x38;
	[tilespmem:$0x6800] =	vst v63  }
0x67: {  	_ =	swait.ge [sflag:s9], $0x4000  }
0x68: {  	[sflag:s9] =	ssyncset.done $0x0  }
0x69: {  	[sflag:s9] =	ssyncadd.s32 $0xFFFFC000  }
0x6a: {  	s13 =	sadd.s32 $0x1, s13  }
0x6b: {  	p0 =	sne.s32 s13, s8  }
.Ltmp2:
0x6c: {  	_ = 	snop;
	(pc) =	sbr.rel @p0 .LBB2_1-.Ltmp2, $1  }
0x6d: {  	_ =	sdelay $0x3  }
0x6e: {  	_ =	sfence.sel $0x180000  }
0x6f: {  	[bflag:$0x0] =	sbarrier.arrive $0xFFFF  }
0x70: {  	p0 =	sne.s32 s5, $0x0;
	_ =	strace $0x90000047  }
0x71: {  	s0 =	sadd.s32 @!p0 $0x100000, s0;
	[bflag:$0x2] =	sbarrier.arrive $0xFFFF  }
0x72: {  	[sflag:s0] =	ssyncadd.tile.s32 @!p0 $0x1;
	_ =	shalt  }
.Lfunc_end2:
_tile_overlayer_lowered:
.L_overlay_start_2:
0x73: {  	(tag) =	ssettag $0x2  }
0x74: {  	s0 =	rddreg [dreg:$0x0];
	s2 =	stileid.u32  }
0x75: {  	s1 =	rddreg [dreg:$0x1];
	p0 =	sne.s32 s2, $0x0  }
0x76: {  	s3 =	rddreg [dreg:$0x2];
	[bflag:$0x3] =	sbarrier.arrive $0xFFFF;
	s2 =	simm.s32 @!p0 $0x1C01  }
0x77: {  	[timem:s3], [sflag:s2] =	dma.local @!p0 [hbm:s0], s1  }
0x78: {  	s0 =	simm.s32 @!p0 $0x1  }
0x79: {  	_ =	swait.ge @!p0 [sflag:s0], s1  }
0x7a: {  	s1 =	ssub.s32 @!p0 $0x0, s1;
	[sflag:s0] =	ssyncset.done @!p0 $0x0  }
0x7b: {  	[sflag:s0] =	ssyncadd.s32 @!p0 s1  }
0x7c: {  	[bflag:$0x3] =	sbarrier.arrive $0xFFFF  }
0x7d: {  	_ =	shalt  }

</sc_bundles>
